<compile_context>
chip_gen: v7x
topology: tpu7x:2x2x1
jax: 0.10.2.dev20260603
libtpu: 0.0.44.dev20260713+nightly
codegen_flags: <defaults>
</compile_context>

<pallas_src>
import functools

import jax
import jax.numpy as jnp
from jax import lax
from jax.experimental import pallas as pl
from jax.experimental.pallas import tpu as pltpu
from jax.experimental.pallas import tpu_sc as plsc

N = 10000
N_IN = 128
N_H = 64
N_IDX = 5000

_NC = 2
_NS = 16
_NW = _NC * _NS
_LANES = 16
_CHUNK = 160
_LAST = N_IDX - (_NW - 1) * _CHUNK


def _norm_body(x_ref, wcat_ref, b1_ref, b2_ref, out_ref):
    x = x_ref[...]
    w1 = wcat_ref[:, :N_H]
    w2t = wcat_ref[:, N_H:]
    h = jnp.dot(x, w1, preferred_element_type=jnp.float32) + b1_ref[...]
    h = jnp.maximum(h, 0.0)
    xr = jax.lax.dot_general(h, w2t, (((1,), (1,)), ((), ())),
                             preferred_element_type=jnp.float32) + b2_ref[...]
    d = x - xr
    ones = jnp.ones((1, N_IN), dtype=jnp.float32)
    s = jax.lax.dot_general(ones, d * d, (((1,), (1,)), ((), ())),
                            preferred_element_type=jnp.float32)
    out_ref[...] = jnp.sqrt(s.reshape(N))


def _row_norms(x, wcat, b1, b2):
    return pl.pallas_call(
        _norm_body,
        out_shape=jax.ShapeDtypeStruct((N,), jnp.float32),
    )(x, wcat, b1.reshape(1, N_H), b2.reshape(1, N_IN))


def _sc_body(nrm_hbm, idx_tr_hbm, idx_te_hbm, te_out, part_out,
             idx_a, val_a, idx_b, val_b, acc_v, sem_a, sem_b):
    wid = lax.axis_index("s") * _NC + lax.axis_index("c")
    base = wid * _CHUNK
    lanes = lax.iota(jnp.int32, _LANES)

    @pl.when(wid < _NW - 1)
    def _full():
        pltpu.sync_copy(idx_te_hbm.at[pl.ds(base, _CHUNK)], idx_a)
        pltpu.sync_copy(idx_tr_hbm.at[pl.ds(base, _CHUNK)], idx_b)
        cp_a = pltpu.async_copy(nrm_hbm.at[idx_a], val_a, sem_a)
        cp_b = pltpu.async_copy(nrm_hbm.at[idx_b], val_b, sem_b)
        cp_a.wait()
        pltpu.sync_copy(val_a, te_out.at[pl.ds(base, _CHUNK)])
        cp_b.wait()
        acc = jnp.zeros((_LANES,), jnp.float32)
        for j in range(_CHUNK // _LANES):
            acc = acc + val_b[pl.ds(j * _LANES, _LANES)]
        acc_v[...] = acc
        pltpu.sync_copy(acc_v, part_out.at[wid])

    @pl.when(wid == _NW - 1)
    def _ragged():
        pltpu.sync_copy(idx_te_hbm.at[pl.ds(base, _LAST)], idx_a.at[pl.ds(0, _LAST)])
        pltpu.sync_copy(idx_tr_hbm.at[pl.ds(base, _LAST)], idx_b.at[pl.ds(0, _LAST)])
        cp_a = pltpu.async_copy(nrm_hbm.at[idx_a.at[pl.ds(0, _LAST)]],
                                val_a.at[pl.ds(0, _LAST)], sem_a)
        cp_b = pltpu.async_copy(nrm_hbm.at[idx_b.at[pl.ds(0, _LAST)]],
                                val_b.at[pl.ds(0, _LAST)], sem_b)
        cp_a.wait()
        pltpu.sync_copy(val_a.at[pl.ds(0, _LAST)], te_out.at[pl.ds(base, _LAST)])
        cp_b.wait()
        acc = jnp.zeros((_LANES,), jnp.float32)
        for j in range(_LAST // _LANES + 1):
            g = lanes + (base + j * _LANES)
            v = val_b[pl.ds(j * _LANES, _LANES)]
            acc = acc + jnp.where(g < N_IDX, v, 0.0)
        acc_v[...] = acc
        pltpu.sync_copy(acc_v, part_out.at[wid])


def _sc_gather(nrm, idx_tr, idx_te):
    mesh = plsc.VectorSubcoreMesh(core_axis_name="c", subcore_axis_name="s")
    run = functools.partial(
        pl.kernel,
        mesh=mesh,
        out_type=[
            jax.ShapeDtypeStruct((N_IDX,), jnp.float32),
            jax.ShapeDtypeStruct((_NW, _LANES), jnp.float32),
        ],
        scratch_types=[
            pltpu.VMEM((_CHUNK,), jnp.int32),
            pltpu.VMEM((_CHUNK,), jnp.float32),
            pltpu.VMEM((_CHUNK,), jnp.int32),
            pltpu.VMEM((_CHUNK,), jnp.float32),
            pltpu.VMEM((_LANES,), jnp.float32),
            pltpu.SemaphoreType.DMA,
            pltpu.SemaphoreType.DMA,
        ],
    )(_sc_body)
    return run(nrm, idx_tr, idx_te)


def kernel(seq1, adj, idx_train, idx_test, W_stru, b_stru,
           W_attr1, b_attr1, W_attr2, b_attr2):
    del adj, W_stru, b_stru
    wcat = jnp.concatenate([W_attr1, W_attr2.T], axis=1)
    nrm = _row_norms(seq1, wcat, b_attr1, b_attr2)
    te, parts = _sc_gather(nrm, idx_train.astype(jnp.int32),
                           idx_test.astype(jnp.int32))
    loss = jnp.sum(parts) * (1.0 / N_IDX)
    return (loss, te)

# --- scband reference (transcript-rebuilt; emitter-appended) ---
"""Pipeline reference for scband-model-386547056923 (READ-ONLY COPY).

The authoritative reference and input builder live on the scoring server;
editing this copy changes nothing except your own understanding.
"""

import jax, jax.numpy as jnp
import numpy as np

N = 10000
N_IN = 128
N_H = 64
N_IDX = 5000

def setup_inputs(seed: int = 0) -> dict:
    key = jax.random.key(seed)
    ks = jax.random.split(key, 10)
    seq1 = jax.random.normal(ks[0], (N, N_IN), dtype=jnp.float32)
    adj = jax.random.uniform(ks[1], (N, N), dtype=jnp.float32)
    idx_train = jax.random.randint(ks[2], (N_IDX,), 0, N)
    idx_test = jax.random.randint(ks[3], (N_IDX,), 0, N)
    # learned parameters (torch nn.Linear uses weight [out,in]; stored transposed here)
    W_stru = jax.random.normal(ks[4], (N_IN, N_H), dtype=jnp.float32) * (1.0 / np.sqrt(N_IN))
    b_stru = jnp.zeros((N_H,), dtype=jnp.float32)
    W_attr1 = jax.random.normal(ks[5], (N_IN, N_H), dtype=jnp.float32) * (1.0 / np.sqrt(N_IN))
    b_attr1 = jnp.zeros((N_H,), dtype=jnp.float32)
    W_attr2 = jax.random.normal(ks[6], (N_H, N_IN), dtype=jnp.float32) * (1.0 / np.sqrt(N_H))
    b_attr2 = jnp.zeros((N_IN,), dtype=jnp.float32)
    return {"seq1": seq1, "adj": adj, "idx_train": idx_train, "idx_test": idx_test,
            "W_stru": W_stru, "b_stru": b_stru, "W_attr1": W_attr1, "b_attr1": b_attr1,
            "W_attr2": W_attr2, "b_attr2": b_attr2}

def reference(seq1, adj, idx_train, idx_test, W_stru, b_stru, W_attr1, b_attr1, W_attr2, b_attr2):
    # torch.squeeze no-ops for 2-D inputs
    x = seq1
    # dense_stru + ReLU (feeds GCN layer whose output self.emb is never used in the
    # returned values; computed here for fidelity of the parameter path, result unused)
    h = jax.nn.relu(x @ W_stru + b_stru)
    _ = h
    # attribute reconstruction branch (dropout p=0.0 -> identity)
    xa = jax.nn.relu(x @ W_attr1 + b_attr1)
    x_ = xa @ W_attr2 + b_attr2
    # double_recon_loss only uses the attribute error (s, s_ args are ignored in the module)
    d_tr = x[idx_train, :] - x_[idx_train, :]
    score = jnp.sqrt(jnp.sum(d_tr * d_tr, axis=1))
    loss = jnp.mean(score)
    d_te = x[idx_test, :] - x_[idx_test, :]
    score_test = jnp.sqrt(jnp.sum(d_te * d_te, axis=1))
    return (loss, score_test)

if __name__ == "__main__":
    import jax
    _d = setup_inputs()
    print(jax.jit(kernel)(*tuple(_d.values())))

</pallas_src>

<mosaic_0001>
#map = affine_map<(d0, d1) -> (0)>
#map1 = affine_map<(d0, d1) -> (0, 0)>
module attributes {stable_mosaic.version = 14 : i64} {
  func.func @_sc_body(%arg0: i32, %arg1: i32, %arg2: memref<10000xf32, #tpu.memory_space<hbm>>, %arg3: memref<5000xi32, #tpu.memory_space<hbm>>, %arg4: memref<5000xi32, #tpu.memory_space<hbm>>, %arg5: memref<5000xf32, #tpu.memory_space<hbm>>, %arg6: memref<32x16xf32, #tpu.memory_space<hbm>>, %arg7: memref<160xi32, #tpu.memory_space<vmem>>, %arg8: memref<160xf32, #tpu.memory_space<vmem>>, %arg9: memref<160xi32, #tpu.memory_space<vmem>>, %arg10: memref<160xf32, #tpu.memory_space<vmem>>, %arg11: memref<16xf32, #tpu.memory_space<vmem>>, %arg12: memref<!tpu.dma_semaphore, #tpu.memory_space<semaphore_mem>>, %arg13: memref<!tpu.dma_semaphore, #tpu.memory_space<semaphore_mem>>) attributes {dimension_semantics = [#tpu.dimension_semantics<core_parallel>, #tpu.dimension_semantics<subcore_parallel>], iteration_bounds = array<i64: 2, 16>, scalar_prefetch = 0 : i64, scratch_operands = 7 : i64, tpu.core_type = #tpu.core_type<sc_vector_subcore>, window_params = [{transform_indices = #map}, {transform_indices = #map}, {transform_indices = #map}, {transform_indices = #map}, {transform_indices = #map1}]} {
    %mul3A = arith.constant 2 : i32
    %mul3A_0 = arith.muli %arg1, %mul3A : i32
    %add3A = arith.addi %mul3A_0, %arg0 : i32
    %mul3A_1 = arith.constant 160 : i32
    %mul3A_2 = arith.muli %add3A, %mul3A_1 : i32
    %iota3A = tpu.iota {dimensions = array<i32: 0>} : vector<16xi32>
    %lt3A = arith.constant 31 : i32
    %lt3A_3 = arith.cmpi slt, %add3A, %lt3A : i32
    %convert_element_type3A = arith.extui %lt3A_3 : i1 to i32
    %cond3A = arith.constant 0 : i32
    %cond3A_4 = arith.cmpi ne, %convert_element_type3A, %cond3A : i32
    scf.if %cond3A_4 {
      "tpu.region"() ({
        %run_scoped3A = tpu.sem_alloc : memref<!tpu.dma_semaphore, #tpu.memory_space<semaphore_mem>>
        %dma_start3A_58 = tpu.memref_slice %arg4[%mul3A_2] : memref<5000xi32, #tpu.memory_space<hbm>> -> memref<160xi32, #tpu.memory_space<hbm>>
        %dma_start3A_59 = tpu.memref_slice %arg4[%mul3A_2] : memref<5000xi32, #tpu.memory_space<hbm>> -> memref<160xi32, #tpu.memory_space<hbm>>
        tpu.enqueue_dma source(%dma_start3A_59 : memref<160xi32, #tpu.memory_space<hbm>>) target(%arg7 : memref<160xi32, #tpu.memory_space<vmem>>) target_semaphore(%run_scoped3A : memref<!tpu.dma_semaphore, #tpu.memory_space<semaphore_mem>>)
        %dma_wait3A_60 = tpu.memref_slice %arg4[%mul3A_2] : memref<5000xi32, #tpu.memory_space<hbm>> -> memref<160xi32, #tpu.memory_space<hbm>>
        %dma_wait3A_61 = tpu.memref_slice %arg4[%mul3A_2] : memref<5000xi32, #tpu.memory_space<hbm>> -> memref<160xi32, #tpu.memory_space<hbm>>
        tpu.wait_dma2 semaphore(%run_scoped3A : memref<!tpu.dma_semaphore, #tpu.memory_space<semaphore_mem>>) src(%dma_wait3A_61 : memref<160xi32, #tpu.memory_space<hbm>>) dst(%arg7 : memref<160xi32, #tpu.memory_space<vmem>>)
        tpu.yield
      }) : () -> ()
      "tpu.region"() ({
        %run_scoped3A = tpu.sem_alloc : memref<!tpu.dma_semaphore, #tpu.memory_space<semaphore_mem>>
        %dma_start3A_58 = tpu.memref_slice %arg3[%mul3A_2] : memref<5000xi32, #tpu.memory_space<hbm>> -> memref<160xi32, #tpu.memory_space<hbm>>
        %dma_start3A_59 = tpu.memref_slice %arg3[%mul3A_2] : memref<5000xi32, #tpu.memory_space<hbm>> -> memref<160xi32, #tpu.memory_space<hbm>>
        tpu.enqueue_dma source(%dma_start3A_59 : memref<160xi32, #tpu.memory_space<hbm>>) target(%arg9 : memref<160xi32, #tpu.memory_space<vmem>>) target_semaphore(%run_scoped3A : memref<!tpu.dma_semaphore, #tpu.memory_space<semaphore_mem>>)
        %dma_wait3A_60 = tpu.memref_slice %arg3[%mul3A_2] : memref<5000xi32, #tpu.memory_space<hbm>> -> memref<160xi32, #tpu.memory_space<hbm>>
        %dma_wait3A_61 = tpu.memref_slice %arg3[%mul3A_2] : memref<5000xi32, #tpu.memory_space<hbm>> -> memref<160xi32, #tpu.memory_space<hbm>>
        tpu.wait_dma2 semaphore(%run_scoped3A : memref<!tpu.dma_semaphore, #tpu.memory_space<semaphore_mem>>) src(%dma_wait3A_61 : memref<160xi32, #tpu.memory_space<hbm>>) dst(%arg9 : memref<160xi32, #tpu.memory_space<vmem>>)
        tpu.yield
      }) : () -> ()
      %dma_start3A = arith.constant 0 : i32
      %dma_start3A_9 = tpu.memref_slice %arg2[%dma_start3A] : memref<10000xf32, #tpu.memory_space<hbm>> -> memref<10000xf32, #tpu.memory_space<hbm>>
      tpu.enqueue_indirect_dma source(%dma_start3A_9 : memref<10000xf32, #tpu.memory_space<hbm>>) target(%arg8 : memref<160xf32, #tpu.memory_space<vmem>>) offsets(%arg7 : memref<160xi32, #tpu.memory_space<vmem>>) semaphore(%arg12 : memref<!tpu.dma_semaphore, #tpu.memory_space<semaphore_mem>>)
      %dma_start3A_10 = arith.constant 0 : i32
      %dma_start3A_11 = tpu.memref_slice %arg2[%dma_start3A_10] : memref<10000xf32, #tpu.memory_space<hbm>> -> memref<10000xf32, #tpu.memory_space<hbm>>
      tpu.enqueue_indirect_dma source(%dma_start3A_11 : memref<10000xf32, #tpu.memory_space<hbm>>) target(%arg10 : memref<160xf32, #tpu.memory_space<vmem>>) offsets(%arg9 : memref<160xi32, #tpu.memory_space<vmem>>) semaphore(%arg13 : memref<!tpu.dma_semaphore, #tpu.memory_space<semaphore_mem>>)
      %dma_wait3A = arith.constant 0 : i32
      %dma_wait3A_12 = tpu.memref_slice %arg2[%dma_wait3A] : memref<10000xf32, #tpu.memory_space<hbm>> -> memref<10000xf32, #tpu.memory_space<hbm>>
      tpu.wait_indirect_dma semaphore(%arg12 : memref<!tpu.dma_semaphore, #tpu.memory_space<semaphore_mem>>) src(%dma_wait3A_12 : memref<10000xf32, #tpu.memory_space<hbm>>) dst(%arg8 : memref<160xf32, #tpu.memory_space<vmem>>)
      "tpu.region"() ({
        %run_scoped3A = tpu.sem_alloc : memref<!tpu.dma_semaphore, #tpu.memory_space<semaphore_mem>>
        %dma_start3A_58 = tpu.memref_slice %arg5[%mul3A_2] : memref<5000xf32, #tpu.memory_space<hbm>> -> memref<160xf32, #tpu.memory_space<hbm>>
        %dma_start3A_59 = tpu.memref_slice %arg5[%mul3A_2] : memref<5000xf32, #tpu.memory_space<hbm>> -> memref<160xf32, #tpu.memory_space<hbm>>
        tpu.enqueue_dma source(%arg8 : memref<160xf32, #tpu.memory_space<vmem>>) target(%dma_start3A_59 : memref<160xf32, #tpu.memory_space<hbm>>) target_semaphore(%run_scoped3A : memref<!tpu.dma_semaphore, #tpu.memory_space<semaphore_mem>>)
        %dma_wait3A_60 = tpu.memref_slice %arg5[%mul3A_2] : memref<5000xf32, #tpu.memory_space<hbm>> -> memref<160xf32, #tpu.memory_space<hbm>>
        %dma_wait3A_61 = tpu.memref_slice %arg5[%mul3A_2] : memref<5000xf32, #tpu.memory_space<hbm>> -> memref<160xf32, #tpu.memory_space<hbm>>
        tpu.wait_dma2 semaphore(%run_scoped3A : memref<!tpu.dma_semaphore, #tpu.memory_space<semaphore_mem>>) src(%arg8 : memref<160xf32, #tpu.memory_space<vmem>>) dst(%dma_wait3A_61 : memref<160xf32, #tpu.memory_space<hbm>>)
        tpu.yield
      }) : () -> ()
      %dma_wait3A_13 = arith.constant 0 : i32
      %dma_wait3A_14 = tpu.memref_slice %arg2[%dma_wait3A_13] : memref<10000xf32, #tpu.memory_space<hbm>> -> memref<10000xf32, #tpu.memory_space<hbm>>
      tpu.wait_indirect_dma semaphore(%arg13 : memref<!tpu.dma_semaphore, #tpu.memory_space<semaphore_mem>>) src(%dma_wait3A_14 : memref<10000xf32, #tpu.memory_space<hbm>>) dst(%arg10 : memref<160xf32, #tpu.memory_space<vmem>>)
      %broadcast_in_dim3A = arith.constant 0.000000e+00 : f32
      %broadcast_in_dim3A_15 = vector.broadcast %broadcast_in_dim3A : f32 to vector<16xf32>
      %get3A = arith.constant 0 : index
      %get3A_16 = tpu.vector_load %arg10[%get3A] {strides = array<i32>} : memref<160xf32, #tpu.memory_space<vmem>>, vector<16xf32>,
      %get3A_17 = vector.shape_cast %get3A_16 : vector<16xf32> to vector<16xf32>
      %add3A_18 = arith.addf %broadcast_in_dim3A_15, %get3A_17 : vector<16xf32>
      %get3A_19 = arith.constant 16 : index
      %get3A_20 = tpu.vector_load %arg10[%get3A_19] {strides = array<i32>} : memref<160xf32, #tpu.memory_space<vmem>>, vector<16xf32>,
      %get3A_21 = vector.shape_cast %get3A_20 : vector<16xf32> to vector<16xf32>
      %add3A_22 = arith.addf %add3A_18, %get3A_21 : vector<16xf32>
      %get3A_23 = arith.constant 32 : index
      %get3A_24 = tpu.vector_load %arg10[%get3A_23] {strides = array<i32>} : memref<160xf32, #tpu.memory_space<vmem>>, vector<16xf32>,
      %get3A_25 = vector.shape_cast %get3A_24 : vector<16xf32> to vector<16xf32>
      %add3A_26 = arith.addf %add3A_22, %get3A_25 : vector<16xf32>
      %get3A_27 = arith.constant 48 : index
      %get3A_28 = tpu.vector_load %arg10[%get3A_27] {strides = array<i32>} : memref<160xf32, #tpu.memory_space<vmem>>, vector<16xf32>,
      %get3A_29 = vector.shape_cast %get3A_28 : vector<16xf32> to vector<16xf32>
      %add3A_30 = arith.addf %add3A_26, %get3A_29 : vector<16xf32>
      %get3A_31 = arith.constant 64 : index
      %get3A_32 = tpu.vector_load %arg10[%get3A_31] {strides = array<i32>} : memref<160xf32, #tpu.memory_space<vmem>>, vector<16xf32>,
      %get3A_33 = vector.shape_cast %get3A_32 : vector<16xf32> to vector<16xf32>
      %add3A_34 = arith.addf %add3A_30, %get3A_33 : vector<16xf32>
      %get3A_35 = arith.constant 80 : index
      %get3A_36 = tpu.vector_load %arg10[%get3A_35] {strides = array<i32>} : memref<160xf32, #tpu.memory_space<vmem>>, vector<16xf32>,
      %get3A_37 = vector.shape_cast %get3A_36 : vector<16xf32> to vector<16xf32>
      %add3A_38 = arith.addf %add3A_34, %get3A_37 : vector<16xf32>
      %get3A_39 = arith.constant 96 : index
      %get3A_40 = tpu.vector_load %arg10[%get3A_39] {strides = array<i32>} : memref<160xf32, #tpu.memory_space<vmem>>, vector<16xf32>,
      %get3A_41 = vector.shape_cast %get3A_40 : vector<16xf32> to vector<16xf32>
      %add3A_42 = arith.addf %add3A_38, %get3A_41 : vector<16xf32>
      %get3A_43 = arith.constant 112 : index
      %get3A_44 = tpu.vector_load %arg10[%get3A_43] {strides = array<i32>} : memref<160xf32, #tpu.memory_space<vmem>>, vector<16xf32>,
      %get3A_45 = vector.shape_cast %get3A_44 : vector<16xf32> to vector<16xf32>
      %add3A_46 = arith.addf %add3A_42, %get3A_45 : vector<16xf32>
      %get3A_47 = arith.constant 128 : index
      %get3A_48 = tpu.vector_load %arg10[%get3A_47] {strides = array<i32>} : memref<160xf32, #tpu.memory_space<vmem>>, vector<16xf32>,
      %get3A_49 = vector.shape_cast %get3A_48 : vector<16xf32> to vector<16xf32>
      %add3A_50 = arith.addf %add3A_46, %get3A_49 : vector<16xf32>
      %get3A_51 = arith.constant 144 : index
      %get3A_52 = tpu.vector_load %arg10[%get3A_51] {strides = array<i32>} : memref<160xf32, #tpu.memory_space<vmem>>, vector<16xf32>,
      %get3A_53 = vector.shape_cast %get3A_52 : vector<16xf32> to vector<16xf32>
      %add3A_54 = arith.addf %add3A_50, %get3A_53 : vector<16xf32>
      %swap3A = arith.constant 0 : index
      %swap3A_55 = tpu.vector_load %arg11[%swap3A] {strides = array<i32>} : memref<16xf32, #tpu.memory_space<vmem>>, vector<16xf32>,
      %swap3A_56 = vector.shape_cast %swap3A_55 : vector<16xf32> to vector<16xf32>
      %swap3A_57 = vector.shape_cast %add3A_54 : vector<16xf32> to vector<16xf32>
      tpu.vector_store %arg11[%swap3A], %swap3A_57 {strides = array<i32>} : memref<16xf32, #tpu.memory_space<vmem>>, vector<16xf32>,
      "tpu.region"() ({
        %run_scoped3A = tpu.sem_alloc : memref<!tpu.dma_semaphore, #tpu.memory_space<semaphore_mem>>
        %dma_start3A_58 = arith.constant 0 : i32
        %dma_start3A_59 = tpu.memref_slice %arg6[%add3A, %dma_start3A_58] : memref<32x16xf32, #tpu.memory_space<hbm>> -> memref<1x16xf32, #tpu.memory_space<hbm>>
        %dma_start3A_60 = tpu.memref_squeeze %dma_start3A_59 : memref<1x16xf32, #tpu.memory_space<hbm>> -> memref<16xf32, #tpu.memory_space<hbm>>
        %dma_start3A_61 = arith.constant 0 : i32
        %dma_start3A_62 = tpu.memref_slice %arg6[%add3A, %dma_start3A_61] : memref<32x16xf32, #tpu.memory_space<hbm>> -> memref<1x16xf32, #tpu.memory_space<hbm>>
        %dma_start3A_63 = tpu.memref_squeeze %dma_start3A_62 : memref<1x16xf32, #tpu.memory_space<hbm>> -> memref<16xf32, #tpu.memory_space<hbm>>
        tpu.enqueue_dma source(%arg11 : memref<16xf32, #tpu.memory_space<vmem>>) target(%dma_start3A_63 : memref<16xf32, #tpu.memory_space<hbm>>) target_semaphore(%run_scoped3A : memref<!tpu.dma_semaphore, #tpu.memory_space<semaphore_mem>>)
        %dma_wait3A_64 = arith.constant 0 : i32
        %dma_wait3A_65 = tpu.memref_slice %arg6[%add3A, %dma_wait3A_64] : memref<32x16xf32, #tpu.memory_space<hbm>> -> memref<1x16xf32, #tpu.memory_space<hbm>>
        %dma_wait3A_66 = tpu.memref_squeeze %dma_wait3A_65 : memref<1x16xf32, #tpu.memory_space<hbm>> -> memref<16xf32, #tpu.memory_space<hbm>>
        %dma_wait3A_67 = arith.constant 0 : i32
        %dma_wait3A_68 = tpu.memref_slice %arg6[%add3A, %dma_wait3A_67] : memref<32x16xf32, #tpu.memory_space<hbm>> -> memref<1x16xf32, #tpu.memory_space<hbm>>
        %dma_wait3A_69 = tpu.memref_squeeze %dma_wait3A_68 : memref<1x16xf32, #tpu.memory_space<hbm>> -> memref<16xf32, #tpu.memory_space<hbm>>
        tpu.wait_dma2 semaphore(%run_scoped3A : memref<!tpu.dma_semaphore, #tpu.memory_space<semaphore_mem>>) src(%arg11 : memref<16xf32, #tpu.memory_space<vmem>>) dst(%dma_wait3A_69 : memref<16xf32, #tpu.memory_space<hbm>>)
        tpu.yield
      }) : () -> ()
    } else {
    }
    %eq3A = arith.constant 31 : i32
    %eq3A_5 = arith.cmpi eq, %add3A, %eq3A : i32
    %convert_element_type3A_6 = arith.extui %eq3A_5 : i1 to i32
    %cond3A_7 = arith.constant 0 : i32
    %cond3A_8 = arith.cmpi ne, %convert_element_type3A_6, %cond3A_7 : i32
    scf.if %cond3A_8 {
      "tpu.region"() ({
        %run_scoped3A = tpu.sem_alloc : memref<!tpu.dma_semaphore, #tpu.memory_space<semaphore_mem>>
        %dma_start3A_74 = arith.constant 0 : i32
        %dma_start3A_75 = tpu.memref_slice %arg7[%dma_start3A_74] : memref<160xi32, #tpu.memory_space<vmem>> -> memref<40xi32, #tpu.memory_space<vmem>>
        %dma_start3A_76 = tpu.memref_slice %arg4[%mul3A_2] : memref<5000xi32, #tpu.memory_space<hbm>> -> memref<40xi32, #tpu.memory_space<hbm>>
        %dma_start3A_77 = arith.constant 0 : i32
        %dma_start3A_78 = tpu.memref_slice %arg7[%dma_start3A_77] : memref<160xi32, #tpu.memory_space<vmem>> -> memref<40xi32, #tpu.memory_space<vmem>>
        %dma_start3A_79 = tpu.memref_slice %arg4[%mul3A_2] : memref<5000xi32, #tpu.memory_space<hbm>> -> memref<40xi32, #tpu.memory_space<hbm>>
        tpu.enqueue_dma source(%dma_start3A_79 : memref<40xi32, #tpu.memory_space<hbm>>) target(%dma_start3A_78 : memref<40xi32, #tpu.memory_space<vmem>>) target_semaphore(%run_scoped3A : memref<!tpu.dma_semaphore, #tpu.memory_space<semaphore_mem>>)
        %dma_wait3A_80 = arith.constant 0 : i32
        %dma_wait3A_81 = tpu.memref_slice %arg7[%dma_wait3A_80] : memref<160xi32, #tpu.memory_space<vmem>> -> memref<40xi32, #tpu.memory_space<vmem>>
        %dma_wait3A_82 = tpu.memref_slice %arg4[%mul3A_2] : memref<5000xi32, #tpu.memory_space<hbm>> -> memref<40xi32, #tpu.memory_space<hbm>>
        %dma_wait3A_83 = arith.constant 0 : i32
        %dma_wait3A_84 = tpu.memref_slice %arg7[%dma_wait3A_83] : memref<160xi32, #tpu.memory_space<vmem>> -> memref<40xi32, #tpu.memory_space<vmem>>
        %dma_wait3A_85 = tpu.memref_slice %arg4[%mul3A_2] : memref<5000xi32, #tpu.memory_space<hbm>> -> memref<40xi32, #tpu.memory_space<hbm>>
        tpu.wait_dma2 semaphore(%run_scoped3A : memref<!tpu.dma_semaphore, #tpu.memory_space<semaphore_mem>>) src(%dma_wait3A_85 : memref<40xi32, #tpu.memory_space<hbm>>) dst(%dma_wait3A_84 : memref<40xi32, #tpu.memory_space<vmem>>)
        tpu.yield
      }) : () -> ()
      "tpu.region"() ({
        %run_scoped3A = tpu.sem_alloc : memref<!tpu.dma_semaphore, #tpu.memory_space<semaphore_mem>>
        %dma_start3A_74 = arith.constant 0 : i32
        %dma_start3A_75 = tpu.memref_slice %arg9[%dma_start3A_74] : memref<160xi32, #tpu.memory_space<vmem>> -> memref<40xi32, #tpu.memory_space<vmem>>
        %dma_start3A_76 = tpu.memref_slice %arg3[%mul3A_2] : memref<5000xi32, #tpu.memory_space<hbm>> -> memref<40xi32, #tpu.memory_space<hbm>>
        %dma_start3A_77 = arith.constant 0 : i32
        %dma_start3A_78 = tpu.memref_slice %arg9[%dma_start3A_77] : memref<160xi32, #tpu.memory_space<vmem>> -> memref<40xi32, #tpu.memory_space<vmem>>
        %dma_start3A_79 = tpu.memref_slice %arg3[%mul3A_2] : memref<5000xi32, #tpu.memory_space<hbm>> -> memref<40xi32, #tpu.memory_space<hbm>>
        tpu.enqueue_dma source(%dma_start3A_79 : memref<40xi32, #tpu.memory_space<hbm>>) target(%dma_start3A_78 : memref<40xi32, #tpu.memory_space<vmem>>) target_semaphore(%run_scoped3A : memref<!tpu.dma_semaphore, #tpu.memory_space<semaphore_mem>>)
        %dma_wait3A_80 = arith.constant 0 : i32
        %dma_wait3A_81 = tpu.memref_slice %arg9[%dma_wait3A_80] : memref<160xi32, #tpu.memory_space<vmem>> -> memref<40xi32, #tpu.memory_space<vmem>>
        %dma_wait3A_82 = tpu.memref_slice %arg3[%mul3A_2] : memref<5000xi32, #tpu.memory_space<hbm>> -> memref<40xi32, #tpu.memory_space<hbm>>
        %dma_wait3A_83 = arith.constant 0 : i32
        %dma_wait3A_84 = tpu.memref_slice %arg9[%dma_wait3A_83] : memref<160xi32, #tpu.memory_space<vmem>> -> memref<40xi32, #tpu.memory_space<vmem>>
        %dma_wait3A_85 = tpu.memref_slice %arg3[%mul3A_2] : memref<5000xi32, #tpu.memory_space<hbm>> -> memref<40xi32, #tpu.memory_space<hbm>>
        tpu.wait_dma2 semaphore(%run_scoped3A : memref<!tpu.dma_semaphore, #tpu.memory_space<semaphore_mem>>) src(%dma_wait3A_85 : memref<40xi32, #tpu.memory_space<hbm>>) dst(%dma_wait3A_84 : memref<40xi32, #tpu.memory_space<vmem>>)
        tpu.yield
      }) : () -> ()
      %dma_start3A = arith.constant 0 : i32
      %dma_start3A_9 = tpu.memref_slice %arg8[%dma_start3A] : memref<160xf32, #tpu.memory_space<vmem>> -> memref<40xf32, #tpu.memory_space<vmem>>
      %dma_start3A_10 = arith.constant 0 : i32
      %dma_start3A_11 = tpu.memref_slice %arg7[%dma_start3A_10] : memref<160xi32, #tpu.memory_space<vmem>> -> memref<40xi32, #tpu.memory_space<vmem>>
      %dma_start3A_12 = arith.constant 0 : i32
      %dma_start3A_13 = tpu.memref_slice %arg2[%dma_start3A_12] : memref<10000xf32, #tpu.memory_space<hbm>> -> memref<10000xf32, #tpu.memory_space<hbm>>
      tpu.enqueue_indirect_dma source(%dma_start3A_13 : memref<10000xf32, #tpu.memory_space<hbm>>) target(%dma_start3A_9 : memref<40xf32, #tpu.memory_space<vmem>>) offsets(%dma_start3A_11 : memref<40xi32, #tpu.memory_space<vmem>>) semaphore(%arg12 : memref<!tpu.dma_semaphore, #tpu.memory_space<semaphore_mem>>)
      %dma_start3A_14 = arith.constant 0 : i32
      %dma_start3A_15 = tpu.memref_slice %arg10[%dma_start3A_14] : memref<160xf32, #tpu.memory_space<vmem>> -> memref<40xf32, #tpu.memory_space<vmem>>
      %dma_start3A_16 = arith.constant 0 : i32
      %dma_start3A_17 = tpu.memref_slice %arg9[%dma_start3A_16] : memref<160xi32, #tpu.memory_space<vmem>> -> memref<40xi32, #tpu.memory_space<vmem>>
      %dma_start3A_18 = arith.constant 0 : i32
      %dma_start3A_19 = tpu.memref_slice %arg2[%dma_start3A_18] : memref<10000xf32, #tpu.memory_space<hbm>> -> memref<10000xf32, #tpu.memory_space<hbm>>
      tpu.enqueue_indirect_dma source(%dma_start3A_19 : memref<10000xf32, #tpu.memory_space<hbm>>) target(%dma_start3A_15 : memref<40xf32, #tpu.memory_space<vmem>>) offsets(%dma_start3A_17 : memref<40xi32, #tpu.memory_space<vmem>>) semaphore(%arg13 : memref<!tpu.dma_semaphore, #tpu.memory_space<semaphore_mem>>)
      %dma_wait3A = arith.constant 0 : i32
      %dma_wait3A_20 = tpu.memref_slice %arg8[%dma_wait3A] : memref<160xf32, #tpu.memory_space<vmem>> -> memref<40xf32, #tpu.memory_space<vmem>>
      %dma_wait3A_21 = arith.constant 0 : i32
      %dma_wait3A_22 = tpu.memref_slice %arg7[%dma_wait3A_21] : memref<160xi32, #tpu.memory_space<vmem>> -> memref<40xi32, #tpu.memory_space<vmem>>
      %dma_wait3A_23 = arith.constant 0 : i32
      %dma_wait3A_24 = tpu.memref_slice %arg2[%dma_wait3A_23] : memref<10000xf32, #tpu.memory_space<hbm>> -> memref<10000xf32, #tpu.memory_space<hbm>>
      tpu.wait_indirect_dma semaphore(%arg12 : memref<!tpu.dma_semaphore, #tpu.memory_space<semaphore_mem>>) src(%dma_wait3A_24 : memref<10000xf32, #tpu.memory_space<hbm>>) dst(%dma_wait3A_20 : memref<40xf32, #tpu.memory_space<vmem>>)
      "tpu.region"() ({
        %run_scoped3A = tpu.sem_alloc : memref<!tpu.dma_semaphore, #tpu.memory_space<semaphore_mem>>
        %dma_start3A_74 = arith.constant 0 : i32
        %dma_start3A_75 = tpu.memref_slice %arg8[%dma_start3A_74] : memref<160xf32, #tpu.memory_space<vmem>> -> memref<40xf32, #tpu.memory_space<vmem>>
        %dma_start3A_76 = tpu.memref_slice %arg5[%mul3A_2] : memref<5000xf32, #tpu.memory_space<hbm>> -> memref<40xf32, #tpu.memory_space<hbm>>
        %dma_start3A_77 = tpu.memref_slice %arg5[%mul3A_2] : memref<5000xf32, #tpu.memory_space<hbm>> -> memref<40xf32, #tpu.memory_space<hbm>>
        %dma_start3A_78 = arith.constant 0 : i32
        %dma_start3A_79 = tpu.memref_slice %arg8[%dma_start3A_78] : memref<160xf32, #tpu.memory_space<vmem>> -> memref<40xf32, #tpu.memory_space<vmem>>
        tpu.enqueue_dma source(%dma_start3A_79 : memref<40xf32, #tpu.memory_space<vmem>>) target(%dma_start3A_77 : memref<40xf32, #tpu.memory_space<hbm>>) target_semaphore(%run_scoped3A : memref<!tpu.dma_semaphore, #tpu.memory_space<semaphore_mem>>)
        %dma_wait3A_80 = arith.constant 0 : i32
        %dma_wait3A_81 = tpu.memref_slice %arg8[%dma_wait3A_80] : memref<160xf32, #tpu.memory_space<vmem>> -> memref<40xf32, #tpu.memory_space<vmem>>
        %dma_wait3A_82 = tpu.memref_slice %arg5[%mul3A_2] : memref<5000xf32, #tpu.memory_space<hbm>> -> memref<40xf32, #tpu.memory_space<hbm>>
        %dma_wait3A_83 = tpu.memref_slice %arg5[%mul3A_2] : memref<5000xf32, #tpu.memory_space<hbm>> -> memref<40xf32, #tpu.memory_space<hbm>>
        %dma_wait3A_84 = arith.constant 0 : i32
        %dma_wait3A_85 = tpu.memref_slice %arg8[%dma_wait3A_84] : memref<160xf32, #tpu.memory_space<vmem>> -> memref<40xf32, #tpu.memory_space<vmem>>
        tpu.wait_dma2 semaphore(%run_scoped3A : memref<!tpu.dma_semaphore, #tpu.memory_space<semaphore_mem>>) src(%dma_wait3A_85 : memref<40xf32, #tpu.memory_space<vmem>>) dst(%dma_wait3A_83 : memref<40xf32, #tpu.memory_space<hbm>>)
        tpu.yield
      }) : () -> ()
      %dma_wait3A_25 = arith.constant 0 : i32
      %dma_wait3A_26 = tpu.memref_slice %arg10[%dma_wait3A_25] : memref<160xf32, #tpu.memory_space<vmem>> -> memref<40xf32, #tpu.memory_space<vmem>>
      %dma_wait3A_27 = arith.constant 0 : i32
      %dma_wait3A_28 = tpu.memref_slice %arg9[%dma_wait3A_27] : memref<160xi32, #tpu.memory_space<vmem>> -> memref<40xi32, #tpu.memory_space<vmem>>
      %dma_wait3A_29 = arith.constant 0 : i32
      %dma_wait3A_30 = tpu.memref_slice %arg2[%dma_wait3A_29] : memref<10000xf32, #tpu.memory_space<hbm>> -> memref<10000xf32, #tpu.memory_space<hbm>>
      tpu.wait_indirect_dma semaphore(%arg13 : memref<!tpu.dma_semaphore, #tpu.memory_space<semaphore_mem>>) src(%dma_wait3A_30 : memref<10000xf32, #tpu.memory_space<hbm>>) dst(%dma_wait3A_26 : memref<40xf32, #tpu.memory_space<vmem>>)
      %broadcast_in_dim3A = arith.constant 0.000000e+00 : f32
      %broadcast_in_dim3A_31 = vector.broadcast %broadcast_in_dim3A : f32 to vector<16xf32>
      %add3A_32 = arith.constant 0 : i32
      %add3A_33 = arith.addi %mul3A_2, %add3A_32 : i32
      %add3A_34 = vector.broadcast %add3A_33 : i32 to vector<16xi32>
      %add3A_35 = arith.addi %iota3A, %add3A_34 : vector<16xi32>
      %get3A = arith.constant 0 : index
      %get3A_36 = tpu.vector_load %arg10[%get3A] {strides = array<i32>} : memref<160xf32, #tpu.memory_space<vmem>>, vector<16xf32>,
      %get3A_37 = vector.shape_cast %get3A_36 : vector<16xf32> to vector<16xf32>
      %lt3A_38 = arith.constant 5000 : i32
      %lt3A_39 = vector.broadcast %lt3A_38 : i32 to vector<16xi32>
      %lt3A_40 = arith.cmpi slt, %add3A_35, %lt3A_39 : vector<16xi32>
      %jit3A = arith.constant 0.000000e+00 : f32
      %broadcast_in_dim3A_41 = vector.broadcast %jit3A : f32 to vector<16xf32>
      %select_n3A = arith.select %lt3A_40, %get3A_37, %broadcast_in_dim3A_41 : vector<16xi1>, vector<16xf32>
      %add3A_42 = arith.addf %broadcast_in_dim3A_31, %select_n3A : vector<16xf32>
      %add3A_43 = arith.constant 16 : i32
      %add3A_44 = arith.addi %mul3A_2, %add3A_43 : i32
      %add3A_45 = vector.broadcast %add3A_44 : i32 to vector<16xi32>
      %add3A_46 = arith.addi %iota3A, %add3A_45 : vector<16xi32>
      %get3A_47 = arith.constant 16 : index
      %get3A_48 = tpu.vector_load %arg10[%get3A_47] {strides = array<i32>} : memref<160xf32, #tpu.memory_space<vmem>>, vector<16xf32>,
      %get3A_49 = vector.shape_cast %get3A_48 : vector<16xf32> to vector<16xf32>
      %lt3A_50 = arith.constant 5000 : i32
      %lt3A_51 = vector.broadcast %lt3A_50 : i32 to vector<16xi32>
      %lt3A_52 = arith.cmpi slt, %add3A_46, %lt3A_51 : vector<16xi32>
      %jit3A_53 = arith.constant 0.000000e+00 : f32
      %broadcast_in_dim3A_54 = vector.broadcast %jit3A_53 : f32 to vector<16xf32>
      %select_n3A_55 = arith.select %lt3A_52, %get3A_49, %broadcast_in_dim3A_54 : vector<16xi1>, vector<16xf32>
      %add3A_56 = arith.addf %add3A_42, %select_n3A_55 : vector<16xf32>
      %add3A_57 = arith.constant 32 : i32
      %add3A_58 = arith.addi %mul3A_2, %add3A_57 : i32
      %add3A_59 = vector.broadcast %add3A_58 : i32 to vector<16xi32>
      %add3A_60 = arith.addi %iota3A, %add3A_59 : vector<16xi32>
      %get3A_61 = arith.constant 32 : index
      %get3A_62 = tpu.vector_load %arg10[%get3A_61] {strides = array<i32>} : memref<160xf32, #tpu.memory_space<vmem>>, vector<16xf32>,
      %get3A_63 = vector.shape_cast %get3A_62 : vector<16xf32> to vector<16xf32>
      %lt3A_64 = arith.constant 5000 : i32
      %lt3A_65 = vector.broadcast %lt3A_64 : i32 to vector<16xi32>
      %lt3A_66 = arith.cmpi slt, %add3A_60, %lt3A_65 : vector<16xi32>
      %jit3A_67 = arith.constant 0.000000e+00 : f32
      %broadcast_in_dim3A_68 = vector.broadcast %jit3A_67 : f32 to vector<16xf32>
      %select_n3A_69 = arith.select %lt3A_66, %get3A_63, %broadcast_in_dim3A_68 : vector<16xi1>, vector<16xf32>
      %add3A_70 = arith.addf %add3A_56, %select_n3A_69 : vector<16xf32>
      %swap3A = arith.constant 0 : index
      %swap3A_71 = tpu.vector_load %arg11[%swap3A] {strides = array<i32>} : memref<16xf32, #tpu.memory_space<vmem>>, vector<16xf32>,
      %swap3A_72 = vector.shape_cast %swap3A_71 : vector<16xf32> to vector<16xf32>
      %swap3A_73 = vector.shape_cast %add3A_70 : vector<16xf32> to vector<16xf32>
      tpu.vector_store %arg11[%swap3A], %swap3A_73 {strides = array<i32>} : memref<16xf32, #tpu.memory_space<vmem>>, vector<16xf32>,
      "tpu.region"() ({
        %run_scoped3A = tpu.sem_alloc : memref<!tpu.dma_semaphore, #tpu.memory_space<semaphore_mem>>
        %dma_start3A_74 = arith.constant 0 : i32
        %dma_start3A_75 = tpu.memref_slice %arg6[%add3A, %dma_start3A_74] : memref<32x16xf32, #tpu.memory_space<hbm>> -> memref<1x16xf32, #tpu.memory_space<hbm>>
        %dma_start3A_76 = tpu.memref_squeeze %dma_start3A_75 : memref<1x16xf32, #tpu.memory_space<hbm>> -> memref<16xf32, #tpu.memory_space<hbm>>
        %dma_start3A_77 = arith.constant 0 : i32
        %dma_start3A_78 = tpu.memref_slice %arg6[%add3A, %dma_start3A_77] : memref<32x16xf32, #tpu.memory_space<hbm>> -> memref<1x16xf32, #tpu.memory_space<hbm>>
        %dma_start3A_79 = tpu.memref_squeeze %dma_start3A_78 : memref<1x16xf32, #tpu.memory_space<hbm>> -> memref<16xf32, #tpu.memory_space<hbm>>
        tpu.enqueue_dma source(%arg11 : memref<16xf32, #tpu.memory_space<vmem>>) target(%dma_start3A_79 : memref<16xf32, #tpu.memory_space<hbm>>) target_semaphore(%run_scoped3A : memref<!tpu.dma_semaphore, #tpu.memory_space<semaphore_mem>>)
        %dma_wait3A_80 = arith.constant 0 : i32
        %dma_wait3A_81 = tpu.memref_slice %arg6[%add3A, %dma_wait3A_80] : memref<32x16xf32, #tpu.memory_space<hbm>> -> memref<1x16xf32, #tpu.memory_space<hbm>>
        %dma_wait3A_82 = tpu.memref_squeeze %dma_wait3A_81 : memref<1x16xf32, #tpu.memory_space<hbm>> -> memref<16xf32, #tpu.memory_space<hbm>>
        %dma_wait3A_83 = arith.constant 0 : i32
        %dma_wait3A_84 = tpu.memref_slice %arg6[%add3A, %dma_wait3A_83] : memref<32x16xf32, #tpu.memory_space<hbm>> -> memref<1x16xf32, #tpu.memory_space<hbm>>
        %dma_wait3A_85 = tpu.memref_squeeze %dma_wait3A_84 : memref<1x16xf32, #tpu.memory_space<hbm>> -> memref<16xf32, #tpu.memory_space<hbm>>
        tpu.wait_dma2 semaphore(%run_scoped3A : memref<!tpu.dma_semaphore, #tpu.memory_space<semaphore_mem>>) src(%arg11 : memref<16xf32, #tpu.memory_space<vmem>>) dst(%dma_wait3A_85 : memref<16xf32, #tpu.memory_space<hbm>>)
        tpu.yield
      }) : () -> ()
    } else {
    }
    return
  }
}

module attributes {stable_mosaic.version = 14 : i64} {
  func.func @_norm_body(%arg0: memref<10000x128xf32, #tpu.memory_space<vmem>>, %arg1: memref<128x128xf32, #tpu.memory_space<vmem>>, %arg2: memref<1x64xf32, #tpu.memory_space<vmem>>, %arg3: memref<1x128xf32, #tpu.memory_space<vmem>>, %arg4: memref<10000xf32, #tpu.memory_space<vmem>>) attributes {dimension_semantics = [], scalar_prefetch = 0 : i64, scratch_operands = 0 : i64, tpu.core_type = #tpu.core_type<tc>} {
    %get3A = arith.constant 0 : index
    %get3A_0 = arith.constant 0 : index
    %get3A_1 = vector.load %arg0[%get3A, %get3A_0] : memref<10000x128xf32, #tpu.memory_space<vmem>>, vector<10000x128xf32>
    %get3A_2 = arith.constant 0 : index
    %get3A_3 = arith.constant 0 : index
    %get3A_4 = vector.load %arg1[%get3A_2, %get3A_3] : memref<128x128xf32, #tpu.memory_space<vmem>>, vector<128x64xf32>
    %get3A_5 = arith.constant 0 : index
    %get3A_6 = arith.constant 64 : index
    %get3A_7 = vector.load %arg1[%get3A_5, %get3A_6] : memref<128x128xf32, #tpu.memory_space<vmem>>, vector<128x64xf32>
    %dot_general3A = arith.constant dense<0.000000e+00> : vector<10000x64xf32>
    %dot_general3A_8 = tpu.matmul %get3A_1, %get3A_4, %dot_general3A {dimension_numbers = #tpu.dot_dimension_numbers<[1], [0], [0], [1], [0, 0, 1, 1], [], []>, transpose_lhs_hint = false} : vector<10000x128xf32>, vector<128x64xf32>, vector<10000x64xf32> -> vector<10000x64xf32>
    %get3A_9 = arith.constant 0 : index
    %get3A_10 = arith.constant 0 : index
    %get3A_11 = vector.load %arg2[%get3A_9, %get3A_10] : memref<1x64xf32, #tpu.memory_space<vmem>>, vector<1x64xf32>
    %add3A = vector.broadcast %get3A_11 : vector<1x64xf32> to vector<10000x64xf32>
    %add3A_12 = arith.addf %dot_general3A_8, %add3A : vector<10000x64xf32>
    %max3A = arith.constant 0.000000e+00 : f32
    %max3A_13 = vector.broadcast %max3A : f32 to vector<10000x64xf32>
    %max3A_14 = arith.maximumf %add3A_12, %max3A_13 : vector<10000x64xf32>
    %dot_general3A_15 = arith.constant dense<0.000000e+00> : vector<10000x128xf32>
    %dot_general3A_16 = tpu.matmul %max3A_14, %get3A_7, %dot_general3A_15 {dimension_numbers = #tpu.dot_dimension_numbers<[1], [1], [0], [0], [0, 0, 1, 0], [], []>, transpose_lhs_hint = false} : vector<10000x64xf32>, vector<128x64xf32>, vector<10000x128xf32> -> vector<10000x128xf32>
    %get3A_17 = arith.constant 0 : index
    %get3A_18 = arith.constant 0 : index
    %get3A_19 = vector.load %arg3[%get3A_17, %get3A_18] : memref<1x128xf32, #tpu.memory_space<vmem>>, vector<1x128xf32>
    %add3A_20 = vector.broadcast %get3A_19 : vector<1x128xf32> to vector<10000x128xf32>
    %add3A_21 = arith.addf %dot_general3A_16, %add3A_20 : vector<10000x128xf32>
    %sub3A = arith.subf %get3A_1, %add3A_21 : vector<10000x128xf32>
    %broadcast_in_dim3A = arith.constant 1.000000e+00 : f32
    %broadcast_in_dim3A_22 = vector.broadcast %broadcast_in_dim3A : f32 to vector<1x128xf32>
    %mul3A = arith.mulf %sub3A, %sub3A : vector<10000x128xf32>
    %dot_general3A_23 = arith.constant dense<0.000000e+00> : vector<1x10000xf32>
    %dot_general3A_24 = tpu.matmul %broadcast_in_dim3A_22, %mul3A, %dot_general3A_23 {dimension_numbers = #tpu.dot_dimension_numbers<[1], [1], [0], [0], [0, 0, 1, 0], [], []>, transpose_lhs_hint = false} : vector<1x128xf32>, vector<10000x128xf32>, vector<1x10000xf32> -> vector<1x10000xf32>
    %reshape3A = vector.shape_cast %dot_general3A_24 : vector<1x10000xf32> to vector<10000xf32>
    %sqrt3A = math.sqrt %reshape3A : vector<10000xf32>
    %swap3A = arith.constant 0 : index
    %swap3A_25 = vector.load %arg4[%swap3A] : memref<10000xf32, #tpu.memory_space<vmem>>, vector<10000xf32>
    tpu.vector_store %arg4[%swap3A], %sqrt3A {strides = array<i32>} : memref<10000xf32, #tpu.memory_space<vmem>>, vector<10000xf32>,
    return
  }
}

</mosaic_0001>

<sc_bundles>
// kernel: kernel.4.cloned.1.call-start
scs
__scs_entry_jumppad:
0x0: {  	(pc) =	sbr.rel $0x88, $3  }
0x1: {  	(tag) =	ssettag $0x0;
	lr =	simm.s32 $0x1  }
0x2: {  	[smem:$0x3F9A] =	sst lr;
	_ =	strace $0xD0000000  }
0x3: {  	_ = 	snop  }
0x4: {  	_ = 	snop  }
0x5: {  	_ = 	snop  }
0x6: {  	_ = 	snop  }
0x7: {  	_ = 	snop  }
__scs_overlays_trampoline_lowered:
0x8: {  	[smem:$0x3FA9] =	sst s0  }
0x9: {  	[smem:$0x3FAA] =	sst s1  }
0xa: {  	[smem:$0x3FAB] =	sst s2  }
0xb: {  	[smem:$0x3FAC] =	sst s3  }
0xc: {  	[smem:$0x3FAD] =	sst s4  }
0xd: {  	[smem:$0x3FAE] =	sst s5  }
0xe: {  	[smem:$0x3FAF] =	sst s6  }
0xf: {  	[smem:$0x3FB0] =	sst s7  }
0x10: {  	[smem:$0x3FB1] =	sst s8  }
0x11: {  	[smem:$0x3FB2] =	sst s9;
	s0 =	simm.s32 @!p0 $0x0  }
0x12: {  	s1 =	sld [smem:$0x3F98];
	s0 =	simm.s32 @p0 $0x1  }
0x13: {  	[smem:$0x3FB3] =	sst s0;
	s0 =	simm.s32 @!p1 $0x0  }
0x14: {  	s2 =	sld [smem:$0x3F97];
	s0 =	simm.s32 @p1 $0x1  }
0x15: {  	[smem:$0x3FB4] =	sst s0;
	s0 =	simm.s32 @!p2 $0x0  }
0x16: {  	s3 =	sld [smem:$0x3FDB];
	s0 =	simm.s32 @p2 $0x1  }
0x17: {  	s4 =	simm.s32 $0x1BF5;
	[smem:$0x3FB6] =	sst s0  }
0x18: {  	s0 =	sld [smem:$0x3F99];
	_ =	swait.ge [sflag:s4], $0x0  }
0x19: {  	s7 =	sld [smem:$0x3F9A]  }
0x1a: {  	s8 =	sadd.s32 $0xFFFFE003, lr  }
0x1b: {  	s9 =	sadd.s32 $0xFFFFFEF7, lr;
	s5 =	simm.s32 $0xFFFFFFFF;
	p2 =	slt.u32 s8, $0xFFFFF086  }
0x1c: {  	p1 =	slt.u32 s9, $0xF7A;
	s5 =	simm.s32 @!p2 $0x0  }
0x1d: {  	s5 =	simm.s32 @p1 $0x1;
	p0 =	seq.s32 s7, s2  }
0x1e: {  	s7 =	smul.u32 @!p0 $0xF7A, s2;
	p2 =	seq.s32 @!p0 s5, $0x0  }
0x1f: {  	s9 =	smul.u32 $0xF7A, s1;
	s8 =	simm.s32 @!p0 $0x1BF5;
	p2 =	por !p2, p0  }
0x20: {  	[sflag:s8] =	ssyncset.s32 @!p0 $0xFFFFF086;
	s6 =	sadd.s32 @!p0 s3, s7;
	s7 =	simm.s32 @!p0 $0x108  }
0x21: {  	s3 =	sadd.s32 s3, s9;
	s6 =	sadd.s32 @!p0 $0x88, s6;
	s7 =	simm.s32 @p2 $0x1082  }
0x22: {  	[simem:s7], [sflag:s8] =	dma.local @!p0 [hbm:s6], $0xF7A  }
0x23: {  	s9 =	sor.u32 $0xD0000000, s2;
	s6 =	simm.s32 $0x108;
	_ =	swait.ge @!p0 [sflag:s8], $0x0  }
0x24: {  	s3 =	sadd.s32 $0x88, s3;
	s6 =	simm.s32 @!p1 $0x1082;
	[sflag:s4] =	ssyncset.s32 $0xFFFFF086  }
0x25: {  	[simem:s6], [sflag:s4] =	dma.local [hbm:s3], $0xF7A  }
0x26: {  	[smem:$0x3F9A] =	sst s1;
	(tag) =	ssettag s2;
	_ =	strace s9  }
0x27: {  	s1 =	sld [smem:$0x3FAA]  }
0x28: {  	s2 =	sld [smem:$0x3FAB]  }
0x29: {  	s4 =	sld [smem:$0x3FAD]  }
0x2a: {  	p0 =	seq.s32 s5, $0x0;
	s5 =	sld [smem:$0x3FAE]  }
0x2b: {  	s6 =	sld [smem:$0x3FAF]  }
0x2c: {  	s7 =	sld [smem:$0x3FB0]  }
0x2d: {  	s3 =	simm.s32 $0x108;
	s8 =	sld [smem:$0x3FB1]  }
0x2e: {  	s3 =	simm.s32 @!p0 $0x1082;
	s9 =	sld [smem:$0x3FB2]  }
0x2f: {  	lr =	sadd.s32 s0, s3;
	s0 =	sld [smem:$0x3FA9]  }
0x30: {  	s3 =	sld [smem:$0x3FAC]  }
0x31: {  	[smem:$0x3FB5] =	sst s10  }
0x32: {  	s10 =	sld [smem:$0x3FB3];
	_ =	sdelay $0x3  }
0x33: {  	p0 =	seq.s32 s10, $0x1;
	s10 =	sld [smem:$0x3FB5];
	_ =	sdelay $0x3  }
0x34: {  	[smem:$0x3FB5] =	sst s10  }
0x35: {  	s10 =	sld [smem:$0x3FB4];
	_ =	sdelay $0x3  }
0x36: {  	p1 =	seq.s32 s10, $0x1;
	s10 =	sld [smem:$0x3FB5];
	_ =	sdelay $0x3  }
0x37: {  	[smem:$0x3FB5] =	sst s10  }
0x38: {  	s10 =	sld [smem:$0x3FB6]  }
0x39: {  	_ = 	snop;
	(pc) =	sbr.ind lr, $3  }
0x3a: {  	_ = 	snop  }
0x3b: {  	_ = 	snop  }
0x3c: {  	p2 =	seq.s32 s10, $0x1;
	s10 =	sld [smem:$0x3FB5]  }
0x3d: {  	_ =	shalt  }
0x3e: {  	_ =	shalt  }
0x3f: {  	_ =	shalt  }
0x40: {  	_ =	shalt  }
0x41: {  	_ =	shalt  }
0x42: {  	_ =	shalt  }
0x43: {  	_ =	shalt  }
0x44: {  	_ =	shalt  }
0x45: {  	_ =	shalt  }
0x46: {  	_ =	shalt  }
0x47: {  	_ =	shalt  }
0x48: {  	_ =	shalt  }
0x49: {  	_ =	shalt  }
0x4a: {  	_ =	shalt  }
0x4b: {  	_ =	shalt  }
0x4c: {  	_ =	shalt  }
0x4d: {  	_ =	shalt  }
0x4e: {  	_ =	shalt  }
0x4f: {  	_ =	shalt  }
0x50: {  	_ =	shalt  }
0x51: {  	_ =	shalt  }
0x52: {  	_ =	shalt  }
0x53: {  	_ =	shalt  }
0x54: {  	_ =	shalt  }
0x55: {  	_ =	shalt  }
0x56: {  	_ =	shalt  }
0x57: {  	_ =	shalt  }
0x58: {  	_ =	shalt  }
0x59: {  	_ =	shalt  }
0x5a: {  	_ =	shalt  }
0x5b: {  	_ =	shalt  }
0x5c: {  	_ =	shalt  }
0x5d: {  	_ =	shalt  }
0x5e: {  	_ =	shalt  }
0x5f: {  	_ =	shalt  }
0x60: {  	_ =	shalt  }
0x61: {  	_ =	shalt  }
0x62: {  	_ =	shalt  }
0x63: {  	_ =	shalt  }
0x64: {  	_ =	shalt  }
0x65: {  	_ =	shalt  }
0x66: {  	_ =	shalt  }
0x67: {  	_ =	shalt  }
0x68: {  	_ =	shalt  }
0x69: {  	_ =	shalt  }
0x6a: {  	_ =	shalt  }
0x6b: {  	_ =	shalt  }
0x6c: {  	_ =	shalt  }
0x6d: {  	_ =	shalt  }
0x6e: {  	_ =	shalt  }
0x6f: {  	_ =	shalt  }
0x70: {  	_ =	shalt  }
0x71: {  	_ =	shalt  }
0x72: {  	_ =	shalt  }
0x73: {  	_ =	shalt  }
0x74: {  	_ =	shalt  }
0x75: {  	_ =	shalt  }
0x76: {  	_ =	shalt  }
0x77: {  	_ =	shalt  }
0x78: {  	_ =	shalt  }
0x79: {  	_ =	shalt  }
0x7a: {  	_ =	shalt  }
0x7b: {  	_ =	shalt  }
0x7c: {  	_ =	shalt  }
0x7d: {  	_ =	shalt  }
0x7e: {  	_ =	shalt  }
0x7f: {  	_ =	shalt  }
0x80: {  	_ =	shalt  }
0x81: {  	_ =	shalt  }
0x82: {  	_ =	shalt  }
0x83: {  	_ =	shalt  }
0x84: {  	_ =	shalt  }
0x85: {  	_ =	shalt  }
0x86: {  	_ =	shalt  }
0x87: {  	_ =	shalt  }
.Lfunc_end0:
.L_simem_size_0:
called_computation_lowered:
.L_overlay_start_0:
0x88: {  	s2 =	sld [smem:$0x3FD9]  }
0x89: {  	s3 =	sld [smem:$0x3FFE];
	_ =	sdelay $0x1  }
0x8a: {  	s1 =	srdreg.scid  }
0x8b: {  	s0 =	sand.u32 $0x1, s1  }
0x8c: {  	s14 =	sshll.u32 s0, $0xA;
	s2 =	sadd.s32 s3, s2  }
0x8d: {  	s2 =	sadd.s32 s2, s14  }
0x8e: {  	[smem:$0x3FC1] =	sst s2  }
0x8f: {  	_ = 	snop  }
0x90: {  	s2 =	sld [smem:$0x3FD0];
	_ =	sdelay $0x1  }
0x91: {  	s15 =	sld [smem:$0x3FC8]  }
0x92: {  	s5 =	simm.s32 $0xA;
	s6 =	simm.s32 $0x10;
	s4 =	sld [smem:$0x3FC7]  }
0x93: {  	[smem:s6], [sflag:s5] =	dma.local [hbm:s2], $0x1  }
0x94: {  	_ =	swait.eq [sflag:s5], $0x1  }
0x95: {  	[sflag:s5] =	ssyncset.done $0x0  }
0x96: {  	[sflag:s5] =	ssyncadd.s32 $0xFFFFFFFF  }
0x97: {  	s16 =	sld [smem:$0x11];
	(tm) =	ssettm $0x1  }
0x98: {  	s17 =	sld [smem:$0x3FFB];
	_ =	sdelay $0x3  }
0x99: {  	_ =	strace s17  }
0x9a: {  	s5 =	sld [smem:$0x3FFC];
	_ =	sdelay $0x3  }
0x9b: {  	_ =	strace s5  }
0x9c: {  	s5 =	sld [smem:$0x3FFD];
	_ =	sdelay $0x3  }
0x9d: {  	_ =	strace s5  }
0x9e: {  	_ =	strace $0x8FFFFFFF  }
0x9f: {  	s18 =	sld [smem:$0x3FDB];
	_ =	sdelay $0x1  }
0xa0: {  	s19 =	simm.s32 $_scs_section_size  }
0xa1: {  	s7 =	simm.s32 $_size__tile_overlayer_lowered;
	s8 =	simm.s32 $_tile_overlayer_lowered  }
0xa2: {  	s22 =	simm.s32 $0x1BFF;
	s21 =	sshll.u32 s8, $0x1;
	s5 =	sadd.s32 s19, s18  }
0xa3: {  	s9 =	simm.s32 $0x0;
	s20 =	sshll.u32 s7, $0x1;
	s7 =	sadd.s32 s21, s5  }
0xa4: {  	[timem:s9], [sflag:s22] =	dma.local [hbm:s7], s20  }
0xa5: {  	_ =	swait.ge [sflag:s22], s20  }
0xa6: {  	s6 =	ssub.s32 $0x0, s20;
	[sflag:s22] =	ssyncset.done $0x0  }
0xa7: {  	[sflag:s22] =	ssyncadd.s32 s6;
	_ =	sdelay $0x1  }
0xa8: {  	s23 =	simm.s32 $0x1B8B  }
0xa9: {  	_ =	swait.ge [sflag:s23], $0x1  }
0xaa: {  	[sflag:s23] =	ssyncset.done $0x0  }
0xab: {  	s25 =	simm.s32 $0x1B8E;
	s24 =	sld [smem:$0x3FFE];
	[sflag:s23] =	ssyncadd.s32 $0xFFFFFFFF  }
0xac: {  	s26 =	simm.s32 $execute0_lowered;
	[smem:$0x3FD2] =	sst s25  }
0xad: {  	s7 =	sshll.u32 s26, $0x1;
	_ =	strace $0x80000046;
	[dreg:$0x1] =	wrdreg $0xFFFFFFFF  }
0xae: {  	s28 =	simm.s32 $_size_execute0_lowered;
	s5 =	sadd.s32 s5, s7;
	[dreg:$0x0] =	wrdreg $0x0  }
0xaf: {  	s7 =	sshll.u32 s28, $0x1;
	[dreg:$0x2] =	wrdreg s5  }
0xb0: {  	[dreg:$0x3] =	wrdreg s7  }
0xb1: {  	[dreg:$0x4] =	wrdreg $0xC0  }
0xb2: {  	_ =	task [dreg:s9], $0x5FFFF  }
0xb3: {  	[dreg:$0x1] =	wrdreg $0xFFFFFFFF  }
0xb4: {  	[dreg:$0x0] =	wrdreg $0x60  }
0xb5: {  	[dreg:$0x2] =	wrdreg s24  }
0xb6: {  	[dreg:$0x3] =	wrdreg s15  }
0xb7: {  	[dreg:$0x4] =	wrdreg s4  }
0xb8: {  	[dreg:$0x5] =	wrdreg s16  }
0xb9: {  	[dreg:$0x6] =	wrdreg $0x9  }
0xba: {  	_ =	task.clear_ibuf [dreg:s9], $0x7FFFF;
	_ =	strace $0x90000046  }
0xbb: {  	s29 =	simm.s32 $0x9;
	_ =	strace $0x80000048  }
0xbc: {  	_ =	swait.ge [sflag:s29], $0x1  }
0xbd: {  	[sflag:s29] =	ssyncadd.s32 $0xFFFFFFFF  }
0xbe: {  	_ =	strace $0x90000048  }
0xbf: {  	_ =	sfence  }
0xc0: {  	s30 =	sld [smem:$0x0];
	_ =	sdelay $0x2  }
0xc1: {  	s31 =	sshll.u32 s1, $0xD;
	s1 =	sshrl.u32 s1, $0x2  }
0xc2: {  	s3 =	sand.u32 $0x4000, s31;
	s1 =	sadd.s32 s1, s30  }
0xc3: {  	s0 =	sor.u32 s3, s0;
	s1 =	sshll.u32 s1, $0x11  }
0xc4: {  	s0 =	sor.u32 s1, s0  }
0xc5: {  	s0 =	sadd.s32 $0x8F2B, s0  }
0xc6: {  	[sflag:s0] =	ssyncadd.remote.s32 $0x1  }
0xc7: {  	_ =	sfence.sel $0xFFFF  }
0xc8: {  	[dreg:$0x0] =	wrdreg $0xFFFFFFFF;
	(pc) =	sbr.abs _section_cstart, $3  }
0xc9: {  	[dreg:$0x1] =	wrdreg $0xFFFFFFFF  }
0xca: {  	_ =	task.clear_ibuf [dreg:s9], $0x2FFFF;
	_ =	strace $0x9FFFFFFF  }
0xcb: {  	(tm) =	ssettm $0x7FFFFFFF  }
tec
execute0_lowered:
.L_overlay_start_1:
0x0: {  	(tag) =	ssettag $0x1  }
0x1: {  	s28 =	rddreg [dreg:$0x0]  }
0x2: {  	s18 =	rddreg [dreg:$0x1]  }
0x3: {  	s15 =	rddreg [dreg:$0x2]  }
0x4: {  	s3 =	srdreg.scid;
	s1 =	stileid.u32  }
0x5: {  	s24 =	rddreg [dreg:$0x3];
	s26 =	sand.u32 $0x1, s3;
	s25 =	sshll.u32 s1, $0x1  }
0x6: {  	s0 =	rddreg [dreg:$0x4];
	s2 =	simm.s32 $0x0;
	s29 =	sor.u32 s26, s25  }
0x7: {  	[smem:$0x7FF] =	sst s2;
	s3 =	sadd.s32 $0x26C, s15;
	p0 =	seq.s32 s29, $0x1F  }
0x8: {  	_ =	strace $0x80000047;
	s4 =	simm.s32 @p0 $0x0;
	s5 =	simm.s32 @p0 $0x3  }
0x9: {  	[tilespmem:s4], [sflag:$0x3] =	stream.linear.gather @p0 [hbm4b:s3+s4], $0x28, $0x38;
	[tilespmem:$0x480] =	vst v63  }
0xa: {  	_ =	swait.ge @p0 [sflag:s5], $0x28  }
0xb: {  	[sflag:s5] =	ssyncset.done @p0 $0x0  }
0xc: {  	s6 =	sadd.s32 $0x26C, s18;
	s7 =	simm.s32 @p0 $0x200;
	[sflag:s5] =	ssyncadd.s32 @p0 $0xFFFFFFD8  }
0xd: {  	[tilespmem:s7], [sflag:$0x3] =	stream.linear.gather @p0 [hbm4b:s6+s4], $0x28, $0x38;
	[tilespmem:$0x480] =	vst v63  }
0xe: {  	_ =	swait.ge @p0 [sflag:s5], $0x28  }
0xf: {  	s8 =	sadd.s32 $0xC00, s28;
	[sflag:s5] =	ssyncset.done @p0 $0x0  }
0x10: {  	s9 =	simm.s32 @p0 $0x28;
	s10 =	simm.s32 @p0 $0x100;
	[sflag:s5] =	ssyncadd.s32 @p0 $0xFFFFFFD8  }
0x11: {  	[tilespmem:s10], [sflag:$0x1] =	stream.indirect.gather @p0 [hbm4b:s8+s9], $0x1, s4, s9, $0xb8;
	[tilespmem:$0x480] =	vst v63  }
0x12: {  	s11 =	simm.s32 @p0 $0x300;
	s12 =	simm.s32 @p0 $0x1  }
0x13: {  	[tilespmem:s11], [sflag:$0x2] =	stream.indirect.gather @p0 [hbm4b:s8+s9], $0x1, s7, s9, $0xb8;
	[tilespmem:$0x480] =	vst v63  }
0x14: {  	_ =	swait.ge @p0 [sflag:s12], $0x28  }
0x15: {  	[sflag:s12] =	ssyncset.done @p0 $0x0  }
0x16: {  	s13 =	sadd.s32 $0x26C, s24;
	[sflag:s12] =	ssyncadd.s32 @p0 $0xFFFFFFD8  }
0x17: {  	[hbm4b:s13+s4] =	stream.linear.scatter @p0 [tilespmem:s10], [sflag:$0x3], $0x28, $0x38;
	[tilespmem:$0x480] =	vst v63  }
0x18: {  	_ =	swait.ge @p0 [sflag:s5], $0x28  }
0x19: {  	[sflag:s5] =	ssyncset.done @p0 $0x0  }
0x1a: {  	s14 =	simm.s32 @p0 $0x2;
	[sflag:s5] =	ssyncadd.s32 @p0 $0xFFFFFFD8  }
0x1b: {  	_ =	swait.ge @p0 [sflag:s14], $0x28  }
0x1c: {  	[sflag:s14] =	ssyncset.done @p0 $0x0  }
0x1d: {  	s25 =	smul.u32 $0x14, s29;
	[sflag:s14] =	ssyncadd.s32 @p0 $0xFFFFFFD8  }
0x1e: {  	v0 =	vld @p0 [tilespmem:$0x320]  }
0x1f: {  	s16 =	simm.s32 @!p0 $0x0;
	s17 =	simm.s32 @!p0 $0x3;
	s15 =	sadd.s32 s15, s25;
	v1 =	vld @p0 [tilespmem:$0x300]  }
0x20: {  	v2 =	vld @p0 [tilespmem:$0x310];
	[tilespmem:s16], [sflag:$0x3] =	stream.linear.gather @!p0 [hbm4b:s15+s16], $0xA0, $0x38;
	[tilespmem:$0x480] =	vst v63  }
0x21: {  	_ =	swait.ge @!p0 [sflag:s17], $0xA0  }
0x22: {  	[sflag:s17] =	ssyncset.done @!p0 $0x0  }
0x23: {  	s19 =	simm.s32 @!p0 $0x200;
	s18 =	sadd.s32 s18, s25;
	[sflag:s17] =	ssyncadd.s32 @!p0 $0xFFFFFF60  }
0x24: {  	[tilespmem:s19], [sflag:$0x3] =	stream.linear.gather @!p0 [hbm4b:s18+s16], $0xA0, $0x38;
	[tilespmem:$0x480] =	vst v63  }
0x25: {  	_ =	swait.ge @!p0 [sflag:s17], $0xA0  }
0x26: {  	[sflag:s17] =	ssyncset.done @!p0 $0x0  }
0x27: {  	s20 =	simm.s32 @!p0 $0xA0;
	s21 =	simm.s32 @!p0 $0x100;
	[sflag:s17] =	ssyncadd.s32 @!p0 $0xFFFFFF60  }
0x28: {  	[tilespmem:s21], [sflag:$0x1] =	stream.indirect.gather @!p0 [hbm4b:s8+s20], $0x1, s16, s20, $0xb8;
	[tilespmem:$0x480] =	vst v63  }
0x29: {  	s22 =	simm.s32 @!p0 $0x300;
	s23 =	simm.s32 @!p0 $0x1  }
0x2a: {  	[tilespmem:s22], [sflag:$0x2] =	stream.indirect.gather @!p0 [hbm4b:s8+s20], $0x1, s19, s20, $0xb8;
	[tilespmem:$0x480] =	vst v63  }
0x2b: {  	_ =	swait.ge @!p0 [sflag:s23], $0xA0  }
0x2c: {  	[sflag:s23] =	ssyncset.done @!p0 $0x0  }
0x2d: {  	s24 =	sadd.s32 s24, s25;
	[sflag:s23] =	ssyncadd.s32 @!p0 $0xFFFFFF60  }
0x2e: {  	[hbm4b:s24+s16] =	stream.linear.scatter @!p0 [tilespmem:s21], [sflag:$0x3], $0xA0, $0x38;
	[tilespmem:$0x480] =	vst v63  }
0x2f: {  	_ =	swait.ge @!p0 [sflag:s17], $0xA0  }
0x30: {  	[sflag:s17] =	ssyncset.done @!p0 $0x0  }
0x31: {  	s25 =	simm.s32 @!p0 $0x2;
	[sflag:s17] =	ssyncadd.s32 @!p0 $0xFFFFFF60  }
0x32: {  	_ =	swait.ge @!p0 [sflag:s25], $0xA0  }
0x33: {  	[sflag:s25] =	ssyncset.done @!p0 $0x0  }
0x34: {  	[sflag:s25] =	ssyncadd.s32 @!p0 $0xFFFFFF60  }
0x35: {  	v3 =	vld @!p0 [tilespmem:$0x300];
	_ =	sdelay $0x1  }
0x36: {  	v4 =	vld @!p0 [tilespmem:$0x310];
	_ =	sdelay $0x1  }
0x37: {  	v5 =	vld @!p0 [tilespmem:$0x320]  }
0x38: {  	v3 =	vadd.f32 @!p0 $0.0e+00, v3  }
0x39: {  	v6 =	vld @!p0 [tilespmem:$0x330]  }
0x3a: {  	v3 =	vadd.f32 @!p0 v4, v3  }
0x3b: {  	v4 =	vld @!p0 [tilespmem:$0x340]  }
0x3c: {  	v3 =	vadd.f32 @!p0 v5, v3  }
0x3d: {  	v5 =	vld @!p0 [tilespmem:$0x350]  }
0x3e: {  	v3 =	vadd.f32 @!p0 v6, v3  }
0x3f: {  	v6 =	vld @!p0 [tilespmem:$0x360]  }
0x40: {  	v3 =	vadd.f32 @!p0 v4, v3  }
0x41: {  	v4 =	vld @!p0 [tilespmem:$0x370]  }
0x42: {  	v3 =	vadd.f32 @!p0 v5, v3  }
0x43: {  	v5 =	vld @!p0 [tilespmem:$0x380]  }
0x44: {  	s26 =	ssub.s32 $0x2, s26;
	v3 =	vadd.f32 @!p0 v6, v3  }
0x45: {  	s29 =	sshll.u32 s29, $0x4;
	s30 =	sshrl.u32 s26, $0x1;
	v6 =	vld @!p0 [tilespmem:$0x390]  }
0x46: {  	s30 =	ssub.s32 s26, s30;
	s31 =	sadd.s32 s29, s28;
	v1 =	vadd.f32 @p0 $0.0e+00, v1;
	v3 =	vadd.f32 @!p0 v4, v3  }
0x47: {  	s28 =	sadd.s32 $0x13F0, s28;
	s26 =	sadd.s32 $0x1200, s31;
	s29 =	smax.u32 s30, $0x1  }
0x48: {  	vm0 =	vmmov @p0 $0xff;
	s26 =	smov.u32 @p0 s28;
	s28 =	sadd.s32 $0xFFFFFFFF, s29;
	v1 =	vadd.f32 @p0 v2, v1;
	v2 =	vadd.f32 @!p0 v5, v3  }
0x49: {  	p1 =	sne.s32 s28, $0x0;
	v0 =	vnsel @p0 vm0, $0x0, v0  }
.Ltmp0:
0x4a: {  	v0 =	vadd.f32 @p0 v0, v1;
	v1 =	vadd.f32 @!p0 v6, v2;
	(pc) =	sbr.rel @!p1 .LBB2_2-.Ltmp0, $4  }
0x4b: {  	_ = 	snop  }
0x4c: {  	v0 =	vpsel p0, v0, v1  }
0x4d: {  	s30 =	simm.s32 $0x400;
	s29 =	simm.s32 $0x3;
	[tilespmem:$0x400] =	vst v0  }
0x4e: {  	[hbm4b:s26+s2] =	stream.linear.scatter [tilespmem:s30], [sflag:$0x3], $0x80, $0x38;
	[tilespmem:$0x480] =	vst v63  }
.LBB2_1:
0x4f: {  	s28 =	sadd.s32 $0xFFFFFFFF, s28;
	_ =	swait.ge [sflag:s29], $0x80  }
0x50: {  	p1 =	sne.s32 s28, $0x0;
	[sflag:s29] =	ssyncset.done $0x0  }
0x51: {  	[sflag:s29] =	ssyncadd.s32 $0xFFFFFF80  }
0x52: {  	[tilespmem:s4], [sflag:$0x3] =	stream.linear.gather @p0 [hbm4b:s3+s4], $0x28, $0x38;
	[tilespmem:$0x480] =	vst v63  }
0x53: {  	_ =	swait.ge @p0 [sflag:s5], $0x28  }
0x54: {  	[sflag:s5] =	ssyncset.done @p0 $0x0  }
0x55: {  	[sflag:s5] =	ssyncadd.s32 @p0 $0xFFFFFFD8  }
0x56: {  	[tilespmem:s7], [sflag:$0x3] =	stream.linear.gather @p0 [hbm4b:s6+s4], $0x28, $0x38;
	[tilespmem:$0x480] =	vst v63  }
0x57: {  	_ =	swait.ge @p0 [sflag:s5], $0x28  }
0x58: {  	[sflag:s5] =	ssyncset.done @p0 $0x0  }
0x59: {  	[sflag:s5] =	ssyncadd.s32 @p0 $0xFFFFFFD8  }
0x5a: {  	[tilespmem:s10], [sflag:$0x1] =	stream.indirect.gather @p0 [hbm4b:s8+s9], $0x1, s4, s9, $0xb8;
	[tilespmem:$0x480] =	vst v63  }
0x5b: {  	_ = 	snop  }
0x5c: {  	[tilespmem:s11], [sflag:$0x2] =	stream.indirect.gather @p0 [hbm4b:s8+s9], $0x1, s7, s9, $0xb8;
	[tilespmem:$0x480] =	vst v63  }
0x5d: {  	_ =	swait.ge @p0 [sflag:s12], $0x28  }
0x5e: {  	[sflag:s12] =	ssyncset.done @p0 $0x0  }
0x5f: {  	[sflag:s12] =	ssyncadd.s32 @p0 $0xFFFFFFD8  }
0x60: {  	[hbm4b:s13+s4] =	stream.linear.scatter @p0 [tilespmem:s10], [sflag:$0x3], $0x28, $0x38;
	[tilespmem:$0x480] =	vst v63  }
0x61: {  	_ =	swait.ge @p0 [sflag:s5], $0x28  }
0x62: {  	[sflag:s5] =	ssyncset.done @p0 $0x0  }
0x63: {  	[sflag:s5] =	ssyncadd.s32 @p0 $0xFFFFFFD8  }
0x64: {  	_ =	swait.ge @p0 [sflag:s14], $0x28  }
0x65: {  	[sflag:s14] =	ssyncset.done @p0 $0x0  }
0x66: {  	[sflag:s14] =	ssyncadd.s32 @p0 $0xFFFFFFD8  }
0x67: {  	v0 =	vld @p0 [tilespmem:$0x320]  }
0x68: {  	v1 =	vld @p0 [tilespmem:$0x300]  }
0x69: {  	v2 =	vld @p0 [tilespmem:$0x310]  }
0x6a: {  	[tilespmem:s16], [sflag:$0x3] =	stream.linear.gather @!p0 [hbm4b:s15+s16], $0xA0, $0x38;
	[tilespmem:$0x480] =	vst v63  }
0x6b: {  	_ =	swait.ge @!p0 [sflag:s17], $0xA0  }
0x6c: {  	[sflag:s17] =	ssyncset.done @!p0 $0x0  }
0x6d: {  	v1 =	vadd.f32 @p0 $0.0e+00, v1;
	[sflag:s17] =	ssyncadd.s32 @!p0 $0xFFFFFF60  }
0x6e: {  	[tilespmem:s19], [sflag:$0x3] =	stream.linear.gather @!p0 [hbm4b:s18+s16], $0xA0, $0x38;
	[tilespmem:$0x480] =	vst v63  }
0x6f: {  	v1 =	vadd.f32 @p0 v2, v1;
	_ =	swait.ge @!p0 [sflag:s17], $0xA0  }
0x70: {  	[sflag:s17] =	ssyncset.done @!p0 $0x0  }
0x71: {  	[sflag:s17] =	ssyncadd.s32 @!p0 $0xFFFFFF60  }
0x72: {  	[tilespmem:s21], [sflag:$0x1] =	stream.indirect.gather @!p0 [hbm4b:s8+s20], $0x1, s16, s20, $0xb8;
	[tilespmem:$0x480] =	vst v63  }
0x73: {  	_ = 	snop  }
0x74: {  	[tilespmem:s22], [sflag:$0x2] =	stream.indirect.gather @!p0 [hbm4b:s8+s20], $0x1, s19, s20, $0xb8;
	[tilespmem:$0x480] =	vst v63  }
0x75: {  	_ =	swait.ge @!p0 [sflag:s23], $0xA0  }
0x76: {  	[sflag:s23] =	ssyncset.done @!p0 $0x0  }
0x77: {  	[sflag:s23] =	ssyncadd.s32 @!p0 $0xFFFFFF60  }
0x78: {  	[hbm4b:s24+s16] =	stream.linear.scatter @!p0 [tilespmem:s21], [sflag:$0x3], $0xA0, $0x38;
	[tilespmem:$0x480] =	vst v63  }
0x79: {  	_ =	swait.ge @!p0 [sflag:s17], $0xA0  }
0x7a: {  	[sflag:s17] =	ssyncset.done @!p0 $0x0  }
0x7b: {  	[sflag:s17] =	ssyncadd.s32 @!p0 $0xFFFFFF60  }
0x7c: {  	_ =	swait.ge @!p0 [sflag:s25], $0xA0  }
0x7d: {  	[sflag:s25] =	ssyncset.done @!p0 $0x0  }
0x7e: {  	[sflag:s25] =	ssyncadd.s32 @!p0 $0xFFFFFF60  }
0x7f: {  	v2 =	vld @!p0 [tilespmem:$0x300]  }
0x80: {  	v3 =	vld @!p0 [tilespmem:$0x310];
	_ =	sdelay $0x1  }
0x81: {  	v4 =	vld @!p0 [tilespmem:$0x320];
	_ =	sdelay $0x1  }
0x82: {  	v2 =	vadd.f32 @!p0 $0.0e+00, v2;
	v5 =	vld @!p0 [tilespmem:$0x330];
	_ =	sdelay $0x1  }
0x83: {  	v2 =	vadd.f32 @!p0 v3, v2;
	v3 =	vld @!p0 [tilespmem:$0x340];
	_ =	sdelay $0x1  }
0x84: {  	v2 =	vadd.f32 @!p0 v4, v2;
	v4 =	vld @!p0 [tilespmem:$0x350];
	_ =	sdelay $0x1  }
0x85: {  	v2 =	vadd.f32 @!p0 v5, v2;
	v5 =	vld @!p0 [tilespmem:$0x360];
	_ =	sdelay $0x1  }
0x86: {  	v2 =	vadd.f32 @!p0 v3, v2;
	v3 =	vld @!p0 [tilespmem:$0x370];
	_ =	sdelay $0x1  }
0x87: {  	v2 =	vadd.f32 @!p0 v4, v2;
	v4 =	vld @!p0 [tilespmem:$0x380];
	_ =	sdelay $0x1  }
0x88: {  	v2 =	vadd.f32 @!p0 v5, v2;
	v5 =	vld @!p0 [tilespmem:$0x390];
	_ =	sdelay $0x1  }
0x89: {  	v2 =	vadd.f32 @!p0 v3, v2;
	_ =	sdelay $0x1  }
0x8a: {  	v0 =	vnsel @p0 vm0, $0x0, v0;
	v2 =	vadd.f32 @!p0 v4, v2  }
0x8b: {  	v0 =	vadd.f32 @p0 v0, v1  }
.Ltmp1:
0x8c: {  	v1 =	vadd.f32 @!p0 v5, v2;
	(pc) =	sbr.rel @p1 .LBB2_1-.Ltmp1, $4  }
0x8d: {  	_ = 	snop  }
0x8e: {  	v0 =	vpsel p0, v0, v1  }
0x8f: {  	[tilespmem:$0x400] =	vst v0  }
0x90: {  	[hbm4b:s26+s2] =	stream.linear.scatter [tilespmem:s30], [sflag:$0x3], $0x80, $0x38;
	[tilespmem:$0x480] =	vst v63  }
.LBB2_2:
0x91: {  	_ =	swait.ge [sflag:s29], $0x80  }
0x92: {  	[sflag:s29] =	ssyncset.done $0x0  }
0x93: {  	[sflag:s29] =	ssyncadd.s32 $0xFFFFFF80  }
0x94: {  	_ =	sfence.sel $0x180000  }
0x95: {  	[bflag:$0x0] =	sbarrier.arrive $0xFFFF  }
0x96: {  	p0 =	sne.s32 s1, $0x0;
	_ =	strace $0x90000047  }
0x97: {  	s0 =	sadd.s32 @!p0 $0x100000, s0;
	[bflag:$0x2] =	sbarrier.arrive $0xFFFF  }
0x98: {  	[sflag:s0] =	ssyncadd.tile.s32 @!p0 $0x1;
	_ =	shalt  }
.Lfunc_end2:
_tile_overlayer_lowered:
.L_overlay_start_2:
0x99: {  	(tag) =	ssettag $0x2  }
0x9a: {  	s0 =	rddreg [dreg:$0x0];
	s2 =	stileid.u32  }
0x9b: {  	s1 =	rddreg [dreg:$0x1];
	p0 =	sne.s32 s2, $0x0  }
0x9c: {  	s3 =	rddreg [dreg:$0x2];
	[bflag:$0x3] =	sbarrier.arrive $0xFFFF;
	s2 =	simm.s32 @!p0 $0x1C03  }
0x9d: {  	[timem:s3], [sflag:s2] =	dma.local @!p0 [hbm:s0], s1  }
0x9e: {  	s0 =	simm.s32 @!p0 $0x3  }
0x9f: {  	_ =	swait.ge @!p0 [sflag:s0], s1  }
0xa0: {  	s1 =	ssub.s32 @!p0 $0x0, s1;
	[sflag:s0] =	ssyncset.done @!p0 $0x0  }
0xa1: {  	[sflag:s0] =	ssyncadd.s32 @!p0 s1  }
0xa2: {  	[bflag:$0x3] =	sbarrier.arrive $0xFFFF  }
0xa3: {  	_ =	shalt  }

</sc_bundles>
